<compile_context>
chip_gen: v7x
topology: tpu7x:2x2x1
jax: 0.10.2.dev20260603
libtpu: 0.0.44.dev20260713+nightly
codegen_flags: <defaults>
</compile_context>

<pallas_src>
import jax
import jax.numpy as jnp
from jax import lax
from jax.experimental import pallas as pl
from jax.experimental.pallas import tpu as pltpu
from jax.experimental.pallas import tpu_sc as plsc

NUM_SAMPLES = 16384
NUM_CLASSES = 1000

_info = plsc.get_sparse_core_info()
NC = _info.num_cores
NS = _info.num_subcores
L = _info.num_lanes
NW = NC * NS

SC_CLASSES = 8
COLS = NUM_SAMPLES // NW
GROUPS = COLS // L

TC_ROWS = 200
TC_GRID = NUM_CLASSES // TC_ROWS


def _sc_body(x_hbm, out_hbm, buf, xi_v, sem):
    c_idx = lax.axis_index("c")
    s_idx = lax.axis_index("s")
    w = s_idx * NC + c_idx
    c0 = w * COLS

    zeros16 = jnp.zeros((L,), jnp.float32)
    ones16 = jnp.ones((L,), jnp.float32)
    iota16 = lax.iota(jnp.int32, L)

    pltpu.sync_copy(x_hbm.at[pl.ds(c0, COLS)], xi_v)

    def _zero(g, carry):
        for s in range(SC_CLASSES):
            buf[s, pl.ds(g * L, L)] = zeros16
        return carry

    lax.fori_loop(0, GROUPS, _zero, 0, unroll=4)

    def _scan(g, carry):
        xv = xi_v[pl.ds(g * L, L)]
        scol = iota16 + g * L
        plsc.store_scatter(buf, [xv, scol], ones16, mask=xv < SC_CLASSES)
        return carry

    lax.fori_loop(0, GROUPS, _scan, 0, unroll=4)

    pltpu.async_copy(
        buf, out_hbm.at[pl.ds(0, SC_CLASSES), pl.ds(c0, COLS)], sem).wait()


def _tc_body(x_ref, out_ref):
    i = pl.program_id(0)
    xv = x_ref[0, 0, :]
    cls = lax.broadcasted_iota(jnp.int32, (TC_ROWS, NUM_SAMPLES), 0) \
        + i * TC_ROWS
    hit = (cls == xv[None, :]) & (cls >= SC_CLASSES)
    out_ref[...] = jnp.where(hit, jnp.float32(1.0), jnp.float32(0.0))


@jax.jit
def kernel(x):
    xi = x.astype(jnp.int32)
    mesh = plsc.VectorSubcoreMesh(core_axis_name="c", subcore_axis_name="s")
    sc_part = pl.kernel(
        _sc_body,
        out_type=jax.ShapeDtypeStruct((SC_CLASSES, NUM_SAMPLES), jnp.float32),
        mesh=mesh,
        compiler_params=pltpu.CompilerParams(needs_layout_passes=False,
                                             use_tc_tiling_on_sc=True),
        scratch_types=[
            pltpu.VMEM((SC_CLASSES, COLS), jnp.float32),
            pltpu.VMEM((COLS,), jnp.int32),
            pltpu.SemaphoreType.DMA,
        ],
    )(xi)

    tc_full = pl.pallas_call(
        _tc_body,
        out_shape=jax.ShapeDtypeStruct((NUM_CLASSES, NUM_SAMPLES), jnp.float32),
        grid=(TC_GRID,),
        in_specs=[pl.BlockSpec((1, 1, NUM_SAMPLES), lambda i: (0, 0, 0))],
        out_specs=pl.BlockSpec((TC_ROWS, NUM_SAMPLES), lambda i: (i, 0)),
    )(xi.reshape(1, 1, NUM_SAMPLES))

    out_t = lax.dynamic_update_slice(tc_full, sc_part, (0, 0))
    return out_t.T

# --- scband reference (transcript-rebuilt; emitter-appended) ---
"""Pipeline reference for scband-one-hot-embedding-54314156425725 (READ-ONLY COPY).

The authoritative reference and input builder live on the scoring server;
editing this copy changes nothing except your own understanding.
"""

import jax, jax.numpy as jnp
import numpy as np

NUM_CLASSES = 1000
RULE = 'zero'


def setup_inputs(seed: int = 0) -> dict:
    key = jax.random.key(seed)
    x = jax.random.randint(key, (16384,), 0, 1100, dtype=jnp.int64 if jax.config.read('jax_enable_x64') else jnp.int32)
    return {"x": x}


def reference(x) -> jnp.ndarray:
    # Faithful translation of OneHotEmbedding.forward with rule='zero'.
    # torch mutates x in place (x[where] = 0); here we do it functionally.
    oob = x >= NUM_CLASSES
    x_clamped = jnp.where(oob, 0, x)
    one_hot = jax.nn.one_hot(x_clamped, NUM_CLASSES, dtype=jnp.float32)
    # rule == 'zero': rows whose original index was out-of-range become all-zero
    one_hot = jnp.where(oob[..., None], jnp.float32(0.0), one_hot)
    return one_hot

if __name__ == "__main__":
    import jax
    _d = setup_inputs()
    print(jax.jit(kernel)(*tuple(_d.values())))

</pallas_src>

<mosaic_0001>
#map = affine_map<(d0, d1) -> (0)>
#map1 = affine_map<(d0, d1) -> (0, 0)>
module attributes {stable_mosaic.version = 14 : i64} {
  func.func @_sc_body(%arg0: i32, %arg1: i32, %arg2: memref<16384xi32, #tpu.memory_space<hbm>>, %arg3: memref<8x16384xf32, #tpu.memory_space<hbm>>, %arg4: memref<8x512xf32, #tpu.memory_space<vmem>>, %arg5: memref<512xi32, #tpu.memory_space<vmem>>, %arg6: memref<!tpu.dma_semaphore, #tpu.memory_space<semaphore_mem>>) attributes {dimension_semantics = [#tpu.dimension_semantics<core_parallel>, #tpu.dimension_semantics<subcore_parallel>], iteration_bounds = array<i64: 2, 16>, scalar_prefetch = 0 : i64, scratch_operands = 3 : i64, tpu.core_type = #tpu.core_type<sc_vector_subcore>, window_params = [{transform_indices = #map}, {transform_indices = #map1}]} {
    %mul3A = arith.constant 2 : i32
    %mul3A_0 = arith.muli %arg1, %mul3A : i32
    %add3A = arith.addi %mul3A_0, %arg0 : i32
    %mul3A_1 = arith.constant 512 : i32
    %mul3A_2 = arith.muli %add3A, %mul3A_1 : i32
    %broadcast_in_dim3A = arith.constant 0.000000e+00 : f32
    %broadcast_in_dim3A_3 = vector.broadcast %broadcast_in_dim3A : f32 to vector<16xf32>
    %broadcast_in_dim3A_4 = arith.constant 1.000000e+00 : f32
    %broadcast_in_dim3A_5 = vector.broadcast %broadcast_in_dim3A_4 : f32 to vector<16xf32>
    %iota3A = tpu.iota {dimensions = array<i32: 0>} : vector<16xi32>
    "tpu.region"() ({
      %run_scoped3A = tpu.sem_alloc : memref<!tpu.dma_semaphore, #tpu.memory_space<semaphore_mem>>
      %dma_start3A_23 = tpu.memref_slice %arg2[%mul3A_2] : memref<16384xi32, #tpu.memory_space<hbm>> -> memref<512xi32, #tpu.memory_space<hbm>>
      %dma_start3A_24 = tpu.memref_slice %arg2[%mul3A_2] : memref<16384xi32, #tpu.memory_space<hbm>> -> memref<512xi32, #tpu.memory_space<hbm>>
      tpu.enqueue_dma source(%dma_start3A_24 : memref<512xi32, #tpu.memory_space<hbm>>) target(%arg5 : memref<512xi32, #tpu.memory_space<vmem>>) target_semaphore(%run_scoped3A : memref<!tpu.dma_semaphore, #tpu.memory_space<semaphore_mem>>)
      %dma_wait3A_25 = tpu.memref_slice %arg2[%mul3A_2] : memref<16384xi32, #tpu.memory_space<hbm>> -> memref<512xi32, #tpu.memory_space<hbm>>
      %dma_wait3A_26 = tpu.memref_slice %arg2[%mul3A_2] : memref<16384xi32, #tpu.memory_space<hbm>> -> memref<512xi32, #tpu.memory_space<hbm>>
      tpu.wait_dma2 semaphore(%run_scoped3A : memref<!tpu.dma_semaphore, #tpu.memory_space<semaphore_mem>>) src(%dma_wait3A_26 : memref<512xi32, #tpu.memory_space<hbm>>) dst(%arg5 : memref<512xi32, #tpu.memory_space<vmem>>)
      tpu.yield
    }) : () -> ()
    %scan3A = arith.constant 0 : i32
    %scan3A_6 = arith.constant 0 : i32
    %scan3A_7 = arith.constant 32 : i32
    %scan3A_8 = arith.addi %scan3A_6, %scan3A_7 : i32
    %scan3A_9 = arith.constant 4 : i32
    scf.for %scan3A_23 = %scan3A_6 to %scan3A_8 step %scan3A_9  : i32 {
      %mul3A_24 = arith.constant 16 : i32
      %mul3A_25 = arith.muli %scan3A_23, %mul3A_24 : i32
      %swap3A = arith.constant 0 : i32
      %swap3A_26 = arith.index_cast %swap3A : i32 to index
      %swap3A_27 = arith.index_cast %mul3A_25 : i32 to index
      %swap3A_28 = tpu.vector_load %arg4[%swap3A_26, %swap3A_27] {strides = array<i32>} : memref<8x512xf32, #tpu.memory_space<vmem>>, vector<16xf32>,
      tpu.vector_store %arg4[%swap3A_26, %swap3A_27], %broadcast_in_dim3A_3 {strides = array<i32>} : memref<8x512xf32, #tpu.memory_space<vmem>>, vector<16xf32>,
      %mul3A_29 = arith.constant 16 : i32
      %mul3A_30 = arith.muli %scan3A_23, %mul3A_29 : i32
      %swap3A_31 = arith.constant 1 : i32
      %swap3A_32 = arith.index_cast %swap3A_31 : i32 to index
      %swap3A_33 = arith.index_cast %mul3A_30 : i32 to index
      %swap3A_34 = tpu.vector_load %arg4[%swap3A_32, %swap3A_33] {strides = array<i32>} : memref<8x512xf32, #tpu.memory_space<vmem>>, vector<16xf32>,
      tpu.vector_store %arg4[%swap3A_32, %swap3A_33], %broadcast_in_dim3A_3 {strides = array<i32>} : memref<8x512xf32, #tpu.memory_space<vmem>>, vector<16xf32>,
      %mul3A_35 = arith.constant 16 : i32
      %mul3A_36 = arith.muli %scan3A_23, %mul3A_35 : i32
      %swap3A_37 = arith.constant 2 : i32
      %swap3A_38 = arith.index_cast %swap3A_37 : i32 to index
      %swap3A_39 = arith.index_cast %mul3A_36 : i32 to index
      %swap3A_40 = tpu.vector_load %arg4[%swap3A_38, %swap3A_39] {strides = array<i32>} : memref<8x512xf32, #tpu.memory_space<vmem>>, vector<16xf32>,
      tpu.vector_store %arg4[%swap3A_38, %swap3A_39], %broadcast_in_dim3A_3 {strides = array<i32>} : memref<8x512xf32, #tpu.memory_space<vmem>>, vector<16xf32>,
      %mul3A_41 = arith.constant 16 : i32
      %mul3A_42 = arith.muli %scan3A_23, %mul3A_41 : i32
      %swap3A_43 = arith.constant 3 : i32
      %swap3A_44 = arith.index_cast %swap3A_43 : i32 to index
      %swap3A_45 = arith.index_cast %mul3A_42 : i32 to index
      %swap3A_46 = tpu.vector_load %arg4[%swap3A_44, %swap3A_45] {strides = array<i32>} : memref<8x512xf32, #tpu.memory_space<vmem>>, vector<16xf32>,
      tpu.vector_store %arg4[%swap3A_44, %swap3A_45], %broadcast_in_dim3A_3 {strides = array<i32>} : memref<8x512xf32, #tpu.memory_space<vmem>>, vector<16xf32>,
      %mul3A_47 = arith.constant 16 : i32
      %mul3A_48 = arith.muli %scan3A_23, %mul3A_47 : i32
      %swap3A_49 = arith.constant 4 : i32
      %swap3A_50 = arith.index_cast %swap3A_49 : i32 to index
      %swap3A_51 = arith.index_cast %mul3A_48 : i32 to index
      %swap3A_52 = tpu.vector_load %arg4[%swap3A_50, %swap3A_51] {strides = array<i32>} : memref<8x512xf32, #tpu.memory_space<vmem>>, vector<16xf32>,
      tpu.vector_store %arg4[%swap3A_50, %swap3A_51], %broadcast_in_dim3A_3 {strides = array<i32>} : memref<8x512xf32, #tpu.memory_space<vmem>>, vector<16xf32>,
      %mul3A_53 = arith.constant 16 : i32
      %mul3A_54 = arith.muli %scan3A_23, %mul3A_53 : i32
      %swap3A_55 = arith.constant 5 : i32
      %swap3A_56 = arith.index_cast %swap3A_55 : i32 to index
      %swap3A_57 = arith.index_cast %mul3A_54 : i32 to index
      %swap3A_58 = tpu.vector_load %arg4[%swap3A_56, %swap3A_57] {strides = array<i32>} : memref<8x512xf32, #tpu.memory_space<vmem>>, vector<16xf32>,
      tpu.vector_store %arg4[%swap3A_56, %swap3A_57], %broadcast_in_dim3A_3 {strides = array<i32>} : memref<8x512xf32, #tpu.memory_space<vmem>>, vector<16xf32>,
      %mul3A_59 = arith.constant 16 : i32
      %mul3A_60 = arith.muli %scan3A_23, %mul3A_59 : i32
      %swap3A_61 = arith.constant 6 : i32
      %swap3A_62 = arith.index_cast %swap3A_61 : i32 to index
      %swap3A_63 = arith.index_cast %mul3A_60 : i32 to index
      %swap3A_64 = tpu.vector_load %arg4[%swap3A_62, %swap3A_63] {strides = array<i32>} : memref<8x512xf32, #tpu.memory_space<vmem>>, vector<16xf32>,
      tpu.vector_store %arg4[%swap3A_62, %swap3A_63], %broadcast_in_dim3A_3 {strides = array<i32>} : memref<8x512xf32, #tpu.memory_space<vmem>>, vector<16xf32>,
      %mul3A_65 = arith.constant 16 : i32
      %mul3A_66 = arith.muli %scan3A_23, %mul3A_65 : i32
      %swap3A_67 = arith.constant 7 : i32
      %swap3A_68 = arith.index_cast %swap3A_67 : i32 to index
      %swap3A_69 = arith.index_cast %mul3A_66 : i32 to index
      %swap3A_70 = tpu.vector_load %arg4[%swap3A_68, %swap3A_69] {strides = array<i32>} : memref<8x512xf32, #tpu.memory_space<vmem>>, vector<16xf32>,
      tpu.vector_store %arg4[%swap3A_68, %swap3A_69], %broadcast_in_dim3A_3 {strides = array<i32>} : memref<8x512xf32, #tpu.memory_space<vmem>>, vector<16xf32>,
      %scan3A_71 = arith.constant 1 : i32
      %scan3A_72 = arith.addi %scan3A_23, %scan3A_71 : i32
      %mul3A_73 = arith.constant 16 : i32
      %mul3A_74 = arith.muli %scan3A_72, %mul3A_73 : i32
      %swap3A_75 = arith.constant 0 : i32
      %swap3A_76 = arith.index_cast %swap3A_75 : i32 to index
      %swap3A_77 = arith.index_cast %mul3A_74 : i32 to index
      %swap3A_78 = tpu.vector_load %arg4[%swap3A_76, %swap3A_77] {strides = array<i32>} : memref<8x512xf32, #tpu.memory_space<vmem>>, vector<16xf32>,
      tpu.vector_store %arg4[%swap3A_76, %swap3A_77], %broadcast_in_dim3A_3 {strides = array<i32>} : memref<8x512xf32, #tpu.memory_space<vmem>>, vector<16xf32>,
      %mul3A_79 = arith.constant 16 : i32
      %mul3A_80 = arith.muli %scan3A_72, %mul3A_79 : i32
      %swap3A_81 = arith.constant 1 : i32
      %swap3A_82 = arith.index_cast %swap3A_81 : i32 to index
      %swap3A_83 = arith.index_cast %mul3A_80 : i32 to index
      %swap3A_84 = tpu.vector_load %arg4[%swap3A_82, %swap3A_83] {strides = array<i32>} : memref<8x512xf32, #tpu.memory_space<vmem>>, vector<16xf32>,
      tpu.vector_store %arg4[%swap3A_82, %swap3A_83], %broadcast_in_dim3A_3 {strides = array<i32>} : memref<8x512xf32, #tpu.memory_space<vmem>>, vector<16xf32>,
      %mul3A_85 = arith.constant 16 : i32
      %mul3A_86 = arith.muli %scan3A_72, %mul3A_85 : i32
      %swap3A_87 = arith.constant 2 : i32
      %swap3A_88 = arith.index_cast %swap3A_87 : i32 to index
      %swap3A_89 = arith.index_cast %mul3A_86 : i32 to index
      %swap3A_90 = tpu.vector_load %arg4[%swap3A_88, %swap3A_89] {strides = array<i32>} : memref<8x512xf32, #tpu.memory_space<vmem>>, vector<16xf32>,
      tpu.vector_store %arg4[%swap3A_88, %swap3A_89], %broadcast_in_dim3A_3 {strides = array<i32>} : memref<8x512xf32, #tpu.memory_space<vmem>>, vector<16xf32>,
      %mul3A_91 = arith.constant 16 : i32
      %mul3A_92 = arith.muli %scan3A_72, %mul3A_91 : i32
      %swap3A_93 = arith.constant 3 : i32
      %swap3A_94 = arith.index_cast %swap3A_93 : i32 to index
      %swap3A_95 = arith.index_cast %mul3A_92 : i32 to index
      %swap3A_96 = tpu.vector_load %arg4[%swap3A_94, %swap3A_95] {strides = array<i32>} : memref<8x512xf32, #tpu.memory_space<vmem>>, vector<16xf32>,
      tpu.vector_store %arg4[%swap3A_94, %swap3A_95], %broadcast_in_dim3A_3 {strides = array<i32>} : memref<8x512xf32, #tpu.memory_space<vmem>>, vector<16xf32>,
      %mul3A_97 = arith.constant 16 : i32
      %mul3A_98 = arith.muli %scan3A_72, %mul3A_97 : i32
      %swap3A_99 = arith.constant 4 : i32
      %swap3A_100 = arith.index_cast %swap3A_99 : i32 to index
      %swap3A_101 = arith.index_cast %mul3A_98 : i32 to index
      %swap3A_102 = tpu.vector_load %arg4[%swap3A_100, %swap3A_101] {strides = array<i32>} : memref<8x512xf32, #tpu.memory_space<vmem>>, vector<16xf32>,
      tpu.vector_store %arg4[%swap3A_100, %swap3A_101], %broadcast_in_dim3A_3 {strides = array<i32>} : memref<8x512xf32, #tpu.memory_space<vmem>>, vector<16xf32>,
      %mul3A_103 = arith.constant 16 : i32
      %mul3A_104 = arith.muli %scan3A_72, %mul3A_103 : i32
      %swap3A_105 = arith.constant 5 : i32
      %swap3A_106 = arith.index_cast %swap3A_105 : i32 to index
      %swap3A_107 = arith.index_cast %mul3A_104 : i32 to index
      %swap3A_108 = tpu.vector_load %arg4[%swap3A_106, %swap3A_107] {strides = array<i32>} : memref<8x512xf32, #tpu.memory_space<vmem>>, vector<16xf32>,
      tpu.vector_store %arg4[%swap3A_106, %swap3A_107], %broadcast_in_dim3A_3 {strides = array<i32>} : memref<8x512xf32, #tpu.memory_space<vmem>>, vector<16xf32>,
      %mul3A_109 = arith.constant 16 : i32
      %mul3A_110 = arith.muli %scan3A_72, %mul3A_109 : i32
      %swap3A_111 = arith.constant 6 : i32
      %swap3A_112 = arith.index_cast %swap3A_111 : i32 to index
      %swap3A_113 = arith.index_cast %mul3A_110 : i32 to index
      %swap3A_114 = tpu.vector_load %arg4[%swap3A_112, %swap3A_113] {strides = array<i32>} : memref<8x512xf32, #tpu.memory_space<vmem>>, vector<16xf32>,
      tpu.vector_store %arg4[%swap3A_112, %swap3A_113], %broadcast_in_dim3A_3 {strides = array<i32>} : memref<8x512xf32, #tpu.memory_space<vmem>>, vector<16xf32>,
      %mul3A_115 = arith.constant 16 : i32
      %mul3A_116 = arith.muli %scan3A_72, %mul3A_115 : i32
      %swap3A_117 = arith.constant 7 : i32
      %swap3A_118 = arith.index_cast %swap3A_117 : i32 to index
      %swap3A_119 = arith.index_cast %mul3A_116 : i32 to index
      %swap3A_120 = tpu.vector_load %arg4[%swap3A_118, %swap3A_119] {strides = array<i32>} : memref<8x512xf32, #tpu.memory_space<vmem>>, vector<16xf32>,
      tpu.vector_store %arg4[%swap3A_118, %swap3A_119], %broadcast_in_dim3A_3 {strides = array<i32>} : memref<8x512xf32, #tpu.memory_space<vmem>>, vector<16xf32>,
      %scan3A_121 = arith.constant 2 : i32
      %scan3A_122 = arith.addi %scan3A_23, %scan3A_121 : i32
      %mul3A_123 = arith.constant 16 : i32
      %mul3A_124 = arith.muli %scan3A_122, %mul3A_123 : i32
      %swap3A_125 = arith.constant 0 : i32
      %swap3A_126 = arith.index_cast %swap3A_125 : i32 to index
      %swap3A_127 = arith.index_cast %mul3A_124 : i32 to index
      %swap3A_128 = tpu.vector_load %arg4[%swap3A_126, %swap3A_127] {strides = array<i32>} : memref<8x512xf32, #tpu.memory_space<vmem>>, vector<16xf32>,
      tpu.vector_store %arg4[%swap3A_126, %swap3A_127], %broadcast_in_dim3A_3 {strides = array<i32>} : memref<8x512xf32, #tpu.memory_space<vmem>>, vector<16xf32>,
      %mul3A_129 = arith.constant 16 : i32
      %mul3A_130 = arith.muli %scan3A_122, %mul3A_129 : i32
      %swap3A_131 = arith.constant 1 : i32
      %swap3A_132 = arith.index_cast %swap3A_131 : i32 to index
      %swap3A_133 = arith.index_cast %mul3A_130 : i32 to index
      %swap3A_134 = tpu.vector_load %arg4[%swap3A_132, %swap3A_133] {strides = array<i32>} : memref<8x512xf32, #tpu.memory_space<vmem>>, vector<16xf32>,
      tpu.vector_store %arg4[%swap3A_132, %swap3A_133], %broadcast_in_dim3A_3 {strides = array<i32>} : memref<8x512xf32, #tpu.memory_space<vmem>>, vector<16xf32>,
      %mul3A_135 = arith.constant 16 : i32
      %mul3A_136 = arith.muli %scan3A_122, %mul3A_135 : i32
      %swap3A_137 = arith.constant 2 : i32
      %swap3A_138 = arith.index_cast %swap3A_137 : i32 to index
      %swap3A_139 = arith.index_cast %mul3A_136 : i32 to index
      %swap3A_140 = tpu.vector_load %arg4[%swap3A_138, %swap3A_139] {strides = array<i32>} : memref<8x512xf32, #tpu.memory_space<vmem>>, vector<16xf32>,
      tpu.vector_store %arg4[%swap3A_138, %swap3A_139], %broadcast_in_dim3A_3 {strides = array<i32>} : memref<8x512xf32, #tpu.memory_space<vmem>>, vector<16xf32>,
      %mul3A_141 = arith.constant 16 : i32
      %mul3A_142 = arith.muli %scan3A_122, %mul3A_141 : i32
      %swap3A_143 = arith.constant 3 : i32
      %swap3A_144 = arith.index_cast %swap3A_143 : i32 to index
      %swap3A_145 = arith.index_cast %mul3A_142 : i32 to index
      %swap3A_146 = tpu.vector_load %arg4[%swap3A_144, %swap3A_145] {strides = array<i32>} : memref<8x512xf32, #tpu.memory_space<vmem>>, vector<16xf32>,
      tpu.vector_store %arg4[%swap3A_144, %swap3A_145], %broadcast_in_dim3A_3 {strides = array<i32>} : memref<8x512xf32, #tpu.memory_space<vmem>>, vector<16xf32>,
      %mul3A_147 = arith.constant 16 : i32
      %mul3A_148 = arith.muli %scan3A_122, %mul3A_147 : i32
      %swap3A_149 = arith.constant 4 : i32
      %swap3A_150 = arith.index_cast %swap3A_149 : i32 to index
      %swap3A_151 = arith.index_cast %mul3A_148 : i32 to index
      %swap3A_152 = tpu.vector_load %arg4[%swap3A_150, %swap3A_151] {strides = array<i32>} : memref<8x512xf32, #tpu.memory_space<vmem>>, vector<16xf32>,
      tpu.vector_store %arg4[%swap3A_150, %swap3A_151], %broadcast_in_dim3A_3 {strides = array<i32>} : memref<8x512xf32, #tpu.memory_space<vmem>>, vector<16xf32>,
      %mul3A_153 = arith.constant 16 : i32
      %mul3A_154 = arith.muli %scan3A_122, %mul3A_153 : i32
      %swap3A_155 = arith.constant 5 : i32
      %swap3A_156 = arith.index_cast %swap3A_155 : i32 to index
      %swap3A_157 = arith.index_cast %mul3A_154 : i32 to index
      %swap3A_158 = tpu.vector_load %arg4[%swap3A_156, %swap3A_157] {strides = array<i32>} : memref<8x512xf32, #tpu.memory_space<vmem>>, vector<16xf32>,
      tpu.vector_store %arg4[%swap3A_156, %swap3A_157], %broadcast_in_dim3A_3 {strides = array<i32>} : memref<8x512xf32, #tpu.memory_space<vmem>>, vector<16xf32>,
      %mul3A_159 = arith.constant 16 : i32
      %mul3A_160 = arith.muli %scan3A_122, %mul3A_159 : i32
      %swap3A_161 = arith.constant 6 : i32
      %swap3A_162 = arith.index_cast %swap3A_161 : i32 to index
      %swap3A_163 = arith.index_cast %mul3A_160 : i32 to index
      %swap3A_164 = tpu.vector_load %arg4[%swap3A_162, %swap3A_163] {strides = array<i32>} : memref<8x512xf32, #tpu.memory_space<vmem>>, vector<16xf32>,
      tpu.vector_store %arg4[%swap3A_162, %swap3A_163], %broadcast_in_dim3A_3 {strides = array<i32>} : memref<8x512xf32, #tpu.memory_space<vmem>>, vector<16xf32>,
      %mul3A_165 = arith.constant 16 : i32
      %mul3A_166 = arith.muli %scan3A_122, %mul3A_165 : i32
      %swap3A_167 = arith.constant 7 : i32
      %swap3A_168 = arith.index_cast %swap3A_167 : i32 to index
      %swap3A_169 = arith.index_cast %mul3A_166 : i32 to index
      %swap3A_170 = tpu.vector_load %arg4[%swap3A_168, %swap3A_169] {strides = array<i32>} : memref<8x512xf32, #tpu.memory_space<vmem>>, vector<16xf32>,
      tpu.vector_store %arg4[%swap3A_168, %swap3A_169], %broadcast_in_dim3A_3 {strides = array<i32>} : memref<8x512xf32, #tpu.memory_space<vmem>>, vector<16xf32>,
      %scan3A_171 = arith.constant 3 : i32
      %scan3A_172 = arith.addi %scan3A_23, %scan3A_171 : i32
      %mul3A_173 = arith.constant 16 : i32
      %mul3A_174 = arith.muli %scan3A_172, %mul3A_173 : i32
      %swap3A_175 = arith.constant 0 : i32
      %swap3A_176 = arith.index_cast %swap3A_175 : i32 to index
      %swap3A_177 = arith.index_cast %mul3A_174 : i32 to index
      %swap3A_178 = tpu.vector_load %arg4[%swap3A_176, %swap3A_177] {strides = array<i32>} : memref<8x512xf32, #tpu.memory_space<vmem>>, vector<16xf32>,
      tpu.vector_store %arg4[%swap3A_176, %swap3A_177], %broadcast_in_dim3A_3 {strides = array<i32>} : memref<8x512xf32, #tpu.memory_space<vmem>>, vector<16xf32>,
      %mul3A_179 = arith.constant 16 : i32
      %mul3A_180 = arith.muli %scan3A_172, %mul3A_179 : i32
      %swap3A_181 = arith.constant 1 : i32
      %swap3A_182 = arith.index_cast %swap3A_181 : i32 to index
      %swap3A_183 = arith.index_cast %mul3A_180 : i32 to index
      %swap3A_184 = tpu.vector_load %arg4[%swap3A_182, %swap3A_183] {strides = array<i32>} : memref<8x512xf32, #tpu.memory_space<vmem>>, vector<16xf32>,
      tpu.vector_store %arg4[%swap3A_182, %swap3A_183], %broadcast_in_dim3A_3 {strides = array<i32>} : memref<8x512xf32, #tpu.memory_space<vmem>>, vector<16xf32>,
      %mul3A_185 = arith.constant 16 : i32
      %mul3A_186 = arith.muli %scan3A_172, %mul3A_185 : i32
      %swap3A_187 = arith.constant 2 : i32
      %swap3A_188 = arith.index_cast %swap3A_187 : i32 to index
      %swap3A_189 = arith.index_cast %mul3A_186 : i32 to index
      %swap3A_190 = tpu.vector_load %arg4[%swap3A_188, %swap3A_189] {strides = array<i32>} : memref<8x512xf32, #tpu.memory_space<vmem>>, vector<16xf32>,
      tpu.vector_store %arg4[%swap3A_188, %swap3A_189], %broadcast_in_dim3A_3 {strides = array<i32>} : memref<8x512xf32, #tpu.memory_space<vmem>>, vector<16xf32>,
      %mul3A_191 = arith.constant 16 : i32
      %mul3A_192 = arith.muli %scan3A_172, %mul3A_191 : i32
      %swap3A_193 = arith.constant 3 : i32
      %swap3A_194 = arith.index_cast %swap3A_193 : i32 to index
      %swap3A_195 = arith.index_cast %mul3A_192 : i32 to index
      %swap3A_196 = tpu.vector_load %arg4[%swap3A_194, %swap3A_195] {strides = array<i32>} : memref<8x512xf32, #tpu.memory_space<vmem>>, vector<16xf32>,
      tpu.vector_store %arg4[%swap3A_194, %swap3A_195], %broadcast_in_dim3A_3 {strides = array<i32>} : memref<8x512xf32, #tpu.memory_space<vmem>>, vector<16xf32>,
      %mul3A_197 = arith.constant 16 : i32
      %mul3A_198 = arith.muli %scan3A_172, %mul3A_197 : i32
      %swap3A_199 = arith.constant 4 : i32
      %swap3A_200 = arith.index_cast %swap3A_199 : i32 to index
      %swap3A_201 = arith.index_cast %mul3A_198 : i32 to index
      %swap3A_202 = tpu.vector_load %arg4[%swap3A_200, %swap3A_201] {strides = array<i32>} : memref<8x512xf32, #tpu.memory_space<vmem>>, vector<16xf32>,
      tpu.vector_store %arg4[%swap3A_200, %swap3A_201], %broadcast_in_dim3A_3 {strides = array<i32>} : memref<8x512xf32, #tpu.memory_space<vmem>>, vector<16xf32>,
      %mul3A_203 = arith.constant 16 : i32
      %mul3A_204 = arith.muli %scan3A_172, %mul3A_203 : i32
      %swap3A_205 = arith.constant 5 : i32
      %swap3A_206 = arith.index_cast %swap3A_205 : i32 to index
      %swap3A_207 = arith.index_cast %mul3A_204 : i32 to index
      %swap3A_208 = tpu.vector_load %arg4[%swap3A_206, %swap3A_207] {strides = array<i32>} : memref<8x512xf32, #tpu.memory_space<vmem>>, vector<16xf32>,
      tpu.vector_store %arg4[%swap3A_206, %swap3A_207], %broadcast_in_dim3A_3 {strides = array<i32>} : memref<8x512xf32, #tpu.memory_space<vmem>>, vector<16xf32>,
      %mul3A_209 = arith.constant 16 : i32
      %mul3A_210 = arith.muli %scan3A_172, %mul3A_209 : i32
      %swap3A_211 = arith.constant 6 : i32
      %swap3A_212 = arith.index_cast %swap3A_211 : i32 to index
      %swap3A_213 = arith.index_cast %mul3A_210 : i32 to index
      %swap3A_214 = tpu.vector_load %arg4[%swap3A_212, %swap3A_213] {strides = array<i32>} : memref<8x512xf32, #tpu.memory_space<vmem>>, vector<16xf32>,
      tpu.vector_store %arg4[%swap3A_212, %swap3A_213], %broadcast_in_dim3A_3 {strides = array<i32>} : memref<8x512xf32, #tpu.memory_space<vmem>>, vector<16xf32>,
      %mul3A_215 = arith.constant 16 : i32
      %mul3A_216 = arith.muli %scan3A_172, %mul3A_215 : i32
      %swap3A_217 = arith.constant 7 : i32
      %swap3A_218 = arith.index_cast %swap3A_217 : i32 to index
      %swap3A_219 = arith.index_cast %mul3A_216 : i32 to index
      %swap3A_220 = tpu.vector_load %arg4[%swap3A_218, %swap3A_219] {strides = array<i32>} : memref<8x512xf32, #tpu.memory_space<vmem>>, vector<16xf32>,
      tpu.vector_store %arg4[%swap3A_218, %swap3A_219], %broadcast_in_dim3A_3 {strides = array<i32>} : memref<8x512xf32, #tpu.memory_space<vmem>>, vector<16xf32>,
    }
    %scan3A_10 = arith.constant 32 : i32
    %scan3A_11 = arith.constant 0 : i32
    %scan3A_12 = arith.constant 0 : i32
    %scan3A_13 = arith.constant 32 : i32
    %scan3A_14 = arith.addi %scan3A_12, %scan3A_13 : i32
    %scan3A_15 = arith.constant 4 : i32
    scf.for %scan3A_23 = %scan3A_12 to %scan3A_14 step %scan3A_15  : i32 {
      %mul3A_24 = arith.constant 16 : i32
      %mul3A_25 = arith.muli %scan3A_23, %mul3A_24 : i32
      %get3A = arith.index_cast %mul3A_25 : i32 to index
      %get3A_26 = tpu.vector_load %arg5[%get3A] {strides = array<i32>} : memref<512xi32, #tpu.memory_space<vmem>>, vector<16xi32>,
      %mul3A_27 = arith.constant 16 : i32
      %mul3A_28 = arith.muli %scan3A_23, %mul3A_27 : i32
      %add3A_29 = vector.broadcast %mul3A_28 : i32 to vector<16xi32>
      %add3A_30 = arith.addi %iota3A, %add3A_29 : vector<16xi32>
      %lt3A = arith.constant 8 : i32
      %lt3A_31 = vector.broadcast %lt3A : i32 to vector<16xi32>
      %lt3A_32 = arith.cmpi slt, %get3A_26, %lt3A_31 : vector<16xi32>
      tpu.vector_store_idx %arg4[%get3A_26, %add3A_30], %broadcast_in_dim3A_5 masked %lt3A_32 : memref<8x512xf32, #tpu.memory_space<vmem>>[vector<16xi32>, vector<16xi32>], vector<16xf32>, vector<16xi1>
      %scan3A_33 = arith.constant 1 : i32
      %scan3A_34 = arith.addi %scan3A_23, %scan3A_33 : i32
      %mul3A_35 = arith.constant 16 : i32
      %mul3A_36 = arith.muli %scan3A_34, %mul3A_35 : i32
      %get3A_37 = arith.index_cast %mul3A_36 : i32 to index
      %get3A_38 = tpu.vector_load %arg5[%get3A_37] {strides = array<i32>} : memref<512xi32, #tpu.memory_space<vmem>>, vector<16xi32>,
      %mul3A_39 = arith.constant 16 : i32
      %mul3A_40 = arith.muli %scan3A_34, %mul3A_39 : i32
      %add3A_41 = vector.broadcast %mul3A_40 : i32 to vector<16xi32>
      %add3A_42 = arith.addi %iota3A, %add3A_41 : vector<16xi32>
      %lt3A_43 = arith.constant 8 : i32
      %lt3A_44 = vector.broadcast %lt3A_43 : i32 to vector<16xi32>
      %lt3A_45 = arith.cmpi slt, %get3A_38, %lt3A_44 : vector<16xi32>
      tpu.vector_store_idx %arg4[%get3A_38, %add3A_42], %broadcast_in_dim3A_5 masked %lt3A_45 : memref<8x512xf32, #tpu.memory_space<vmem>>[vector<16xi32>, vector<16xi32>], vector<16xf32>, vector<16xi1>
      %scan3A_46 = arith.constant 2 : i32
      %scan3A_47 = arith.addi %scan3A_23, %scan3A_46 : i32
      %mul3A_48 = arith.constant 16 : i32
      %mul3A_49 = arith.muli %scan3A_47, %mul3A_48 : i32
      %get3A_50 = arith.index_cast %mul3A_49 : i32 to index
      %get3A_51 = tpu.vector_load %arg5[%get3A_50] {strides = array<i32>} : memref<512xi32, #tpu.memory_space<vmem>>, vector<16xi32>,
      %mul3A_52 = arith.constant 16 : i32
      %mul3A_53 = arith.muli %scan3A_47, %mul3A_52 : i32
      %add3A_54 = vector.broadcast %mul3A_53 : i32 to vector<16xi32>
      %add3A_55 = arith.addi %iota3A, %add3A_54 : vector<16xi32>
      %lt3A_56 = arith.constant 8 : i32
      %lt3A_57 = vector.broadcast %lt3A_56 : i32 to vector<16xi32>
      %lt3A_58 = arith.cmpi slt, %get3A_51, %lt3A_57 : vector<16xi32>
      tpu.vector_store_idx %arg4[%get3A_51, %add3A_55], %broadcast_in_dim3A_5 masked %lt3A_58 : memref<8x512xf32, #tpu.memory_space<vmem>>[vector<16xi32>, vector<16xi32>], vector<16xf32>, vector<16xi1>
      %scan3A_59 = arith.constant 3 : i32
      %scan3A_60 = arith.addi %scan3A_23, %scan3A_59 : i32
      %mul3A_61 = arith.constant 16 : i32
      %mul3A_62 = arith.muli %scan3A_60, %mul3A_61 : i32
      %get3A_63 = arith.index_cast %mul3A_62 : i32 to index
      %get3A_64 = tpu.vector_load %arg5[%get3A_63] {strides = array<i32>} : memref<512xi32, #tpu.memory_space<vmem>>, vector<16xi32>,
      %mul3A_65 = arith.constant 16 : i32
      %mul3A_66 = arith.muli %scan3A_60, %mul3A_65 : i32
      %add3A_67 = vector.broadcast %mul3A_66 : i32 to vector<16xi32>
      %add3A_68 = arith.addi %iota3A, %add3A_67 : vector<16xi32>
      %lt3A_69 = arith.constant 8 : i32
      %lt3A_70 = vector.broadcast %lt3A_69 : i32 to vector<16xi32>
      %lt3A_71 = arith.cmpi slt, %get3A_64, %lt3A_70 : vector<16xi32>
      tpu.vector_store_idx %arg4[%get3A_64, %add3A_68], %broadcast_in_dim3A_5 masked %lt3A_71 : memref<8x512xf32, #tpu.memory_space<vmem>>[vector<16xi32>, vector<16xi32>], vector<16xf32>, vector<16xi1>
    }
    %scan3A_16 = arith.constant 32 : i32
    %dma_start3A = arith.constant 0 : i32
    %dma_start3A_17 = tpu.memref_slice %arg3[%dma_start3A, %mul3A_2] : memref<8x16384xf32, #tpu.memory_space<hbm>> -> memref<8x512xf32, #tpu.memory_space<hbm>>
    %dma_start3A_18 = arith.constant 0 : i32
    %dma_start3A_19 = tpu.memref_slice %arg3[%dma_start3A_18, %mul3A_2] : memref<8x16384xf32, #tpu.memory_space<hbm>> -> memref<8x512xf32, #tpu.memory_space<hbm>>
    tpu.enqueue_dma source(%arg4 : memref<8x512xf32, #tpu.memory_space<vmem>>) target(%dma_start3A_19 : memref<8x512xf32, #tpu.memory_space<hbm>>) target_semaphore(%arg6 : memref<!tpu.dma_semaphore, #tpu.memory_space<semaphore_mem>>)
    %dma_wait3A = arith.constant 0 : i32
    %dma_wait3A_20 = tpu.memref_slice %arg3[%dma_wait3A, %mul3A_2] : memref<8x16384xf32, #tpu.memory_space<hbm>> -> memref<8x512xf32, #tpu.memory_space<hbm>>
    %dma_wait3A_21 = arith.constant 0 : i32
    %dma_wait3A_22 = tpu.memref_slice %arg3[%dma_wait3A_21, %mul3A_2] : memref<8x16384xf32, #tpu.memory_space<hbm>> -> memref<8x512xf32, #tpu.memory_space<hbm>>
    tpu.wait_dma2 semaphore(%arg6 : memref<!tpu.dma_semaphore, #tpu.memory_space<semaphore_mem>>) src(%arg4 : memref<8x512xf32, #tpu.memory_space<vmem>>) dst(%dma_wait3A_22 : memref<8x512xf32, #tpu.memory_space<hbm>>)
    return
  }
}

module attributes {stable_mosaic.version = 14 : i64} {
  func.func @_tc_body(%arg0: i32, %arg1: memref<1x1x16384xi32, #tpu.memory_space<vmem>>, %arg2: memref<200x16384xf32, #tpu.memory_space<vmem>>) attributes {dimension_semantics = [#tpu.dimension_semantics<arbitrary>], iteration_bounds = array<i64: 5>, scalar_prefetch = 0 : i64, scratch_operands = 0 : i64, tpu.core_type = #tpu.core_type<tc>, window_params = [{pipeline_mode = #tpu.pipeline_mode<synchronous>, transform_indices = @transform_0, window_bounds = array<i64: 1, 1, 16384>}, {transform_indices = @transform_1, window_bounds = array<i64: 200, 16384>}]} {
    %get3A = arith.constant 0 : index
    %get3A_0 = arith.constant 0 : index
    %get3A_1 = arith.constant 0 : index
    %get3A_2 = vector.load %arg1[%get3A, %get3A_0, %get3A_1] : memref<1x1x16384xi32, #tpu.memory_space<vmem>>, vector<1x1x16384xi32>
    %get3A_3 = vector.shape_cast %get3A_2 : vector<1x1x16384xi32> to vector<16384xi32>
    %iota3A = tpu.iota {dimensions = array<i32: 0>} : vector<200x16384xi32>
    %mul3A = arith.constant 200 : i32
    %mul3A_4 = arith.muli %arg0, %mul3A : i32
    %add3A = vector.broadcast %mul3A_4 : i32 to vector<200x16384xi32>
    %add3A_5 = arith.addi %iota3A, %add3A : vector<200x16384xi32>
    %broadcast_in_dim3A = vector.shape_cast %get3A_3 : vector<16384xi32> to vector<1x16384xi32>
    %eq3A = vector.broadcast %broadcast_in_dim3A : vector<1x16384xi32> to vector<200x16384xi32>
    %eq3A_6 = arith.cmpi eq, %add3A_5, %eq3A : vector<200x16384xi32>
    %ge3A = arith.constant 8 : i32
    %ge3A_7 = vector.broadcast %ge3A : i32 to vector<200x16384xi32>
    %ge3A_8 = arith.cmpi sge, %add3A_5, %ge3A_7 : vector<200x16384xi32>
    %and3A = arith.andi %eq3A_6, %ge3A_8 : vector<200x16384xi1>
    %jit3A = arith.constant 1.000000e+00 : f32
    %jit3A_9 = arith.constant 0.000000e+00 : f32
    %broadcast_in_dim3A_10 = vector.broadcast %jit3A : f32 to vector<200x16384xf32>
    %broadcast_in_dim3A_11 = vector.broadcast %jit3A_9 : f32 to vector<200x16384xf32>
    %select_n3A = arith.select %and3A, %broadcast_in_dim3A_10, %broadcast_in_dim3A_11 : vector<200x16384xi1>, vector<200x16384xf32>
    %swap3A = arith.constant 0 : index
    %swap3A_12 = arith.constant 0 : index
    %swap3A_13 = vector.load %arg2[%swap3A, %swap3A_12] : memref<200x16384xf32, #tpu.memory_space<vmem>>, vector<200x16384xf32>
    tpu.vector_store %arg2[%swap3A, %swap3A_12], %select_n3A {strides = array<i32>} : memref<200x16384xf32, #tpu.memory_space<vmem>>, vector<200x16384xf32>,
    return
  }
  func.func @transform_0(%arg0: i32) -> (i32, i32, i32) {
    %c0_i32 = arith.constant 0 : i32
    %c0_i32_0 = arith.constant 0 : i32
    %c0_i32_1 = arith.constant 0 : i32
    %c0_i32_2 = arith.constant 0 : i32
    return %c0_i32, %c0_i32_0, %c0_i32_1 : i32, i32, i32
  }
  func.func @transform_1(%arg0: i32) -> (i32, i32) {
    %c0_i32 = arith.constant 0 : i32
    %c0_i32_0 = arith.constant 0 : i32
    return %arg0, %c0_i32 : i32, i32
  }
}

</mosaic_0001>

<sc_bundles>
// kernel: kernel.4.cloned.1.call-start
scs
__scs_entry_jumppad:
0x0: {  	(pc) =	sbr.rel $0x88, $3  }
0x1: {  	(tag) =	ssettag $0x0;
	lr =	simm.s32 $0x1  }
0x2: {  	[smem:$0x3FA0] =	sst lr;
	_ =	strace $0xD0000000  }
0x3: {  	_ = 	snop  }
0x4: {  	_ = 	snop  }
0x5: {  	_ = 	snop  }
0x6: {  	_ = 	snop  }
0x7: {  	_ = 	snop  }
__scs_overlays_trampoline_lowered:
0x8: {  	[smem:$0x3FAF] =	sst s0  }
0x9: {  	[smem:$0x3FB0] =	sst s1  }
0xa: {  	[smem:$0x3FB1] =	sst s2  }
0xb: {  	[smem:$0x3FB2] =	sst s3  }
0xc: {  	[smem:$0x3FB3] =	sst s4  }
0xd: {  	[smem:$0x3FB4] =	sst s5  }
0xe: {  	[smem:$0x3FB5] =	sst s6  }
0xf: {  	[smem:$0x3FB6] =	sst s7  }
0x10: {  	[smem:$0x3FB7] =	sst s8  }
0x11: {  	[smem:$0x3FB8] =	sst s9;
	s0 =	simm.s32 @!p0 $0x0  }
0x12: {  	s1 =	sld [smem:$0x3F9E];
	s0 =	simm.s32 @p0 $0x1  }
0x13: {  	[smem:$0x3FB9] =	sst s0;
	s0 =	simm.s32 @!p1 $0x0  }
0x14: {  	s2 =	sld [smem:$0x3F9D];
	s0 =	simm.s32 @p1 $0x1  }
0x15: {  	[smem:$0x3FBA] =	sst s0;
	s0 =	simm.s32 @!p2 $0x0  }
0x16: {  	s3 =	sld [smem:$0x3FDB];
	s0 =	simm.s32 @p2 $0x1  }
0x17: {  	s4 =	simm.s32 $0x1BF5;
	[smem:$0x3FBC] =	sst s0  }
0x18: {  	s0 =	sld [smem:$0x3F9F];
	_ =	swait.ge [sflag:s4], $0x0  }
0x19: {  	s7 =	sld [smem:$0x3FA0]  }
0x1a: {  	s8 =	sadd.s32 $0xFFFFE003, lr  }
0x1b: {  	s9 =	sadd.s32 $0xFFFFFEF7, lr;
	s5 =	simm.s32 $0xFFFFFFFF;
	p2 =	slt.u32 s8, $0xFFFFF086  }
0x1c: {  	p1 =	slt.u32 s9, $0xF7A;
	s5 =	simm.s32 @!p2 $0x0  }
0x1d: {  	s5 =	simm.s32 @p1 $0x1;
	p0 =	seq.s32 s7, s2  }
0x1e: {  	s7 =	smul.u32 @!p0 $0xF7A, s2;
	p2 =	seq.s32 @!p0 s5, $0x0  }
0x1f: {  	s9 =	smul.u32 $0xF7A, s1;
	s8 =	simm.s32 @!p0 $0x1BF5;
	p2 =	por !p2, p0  }
0x20: {  	[sflag:s8] =	ssyncset.s32 @!p0 $0xFFFFF086;
	s6 =	sadd.s32 @!p0 s3, s7;
	s7 =	simm.s32 @!p0 $0x108  }
0x21: {  	s3 =	sadd.s32 s3, s9;
	s6 =	sadd.s32 @!p0 $0x88, s6;
	s7 =	simm.s32 @p2 $0x1082  }
0x22: {  	[simem:s7], [sflag:s8] =	dma.local @!p0 [hbm:s6], $0xF7A  }
0x23: {  	s9 =	sor.u32 $0xD0000000, s2;
	s6 =	simm.s32 $0x108;
	_ =	swait.ge @!p0 [sflag:s8], $0x0  }
0x24: {  	s3 =	sadd.s32 $0x88, s3;
	s6 =	simm.s32 @!p1 $0x1082;
	[sflag:s4] =	ssyncset.s32 $0xFFFFF086  }
0x25: {  	[simem:s6], [sflag:s4] =	dma.local [hbm:s3], $0xF7A  }
0x26: {  	[smem:$0x3FA0] =	sst s1;
	(tag) =	ssettag s2;
	_ =	strace s9  }
0x27: {  	s1 =	sld [smem:$0x3FB0]  }
0x28: {  	s2 =	sld [smem:$0x3FB1]  }
0x29: {  	s4 =	sld [smem:$0x3FB3]  }
0x2a: {  	p0 =	seq.s32 s5, $0x0;
	s5 =	sld [smem:$0x3FB4]  }
0x2b: {  	s6 =	sld [smem:$0x3FB5]  }
0x2c: {  	s7 =	sld [smem:$0x3FB6]  }
0x2d: {  	s3 =	simm.s32 $0x108;
	s8 =	sld [smem:$0x3FB7]  }
0x2e: {  	s3 =	simm.s32 @!p0 $0x1082;
	s9 =	sld [smem:$0x3FB8]  }
0x2f: {  	lr =	sadd.s32 s0, s3;
	s0 =	sld [smem:$0x3FAF]  }
0x30: {  	s3 =	sld [smem:$0x3FB2]  }
0x31: {  	[smem:$0x3FBB] =	sst s10  }
0x32: {  	s10 =	sld [smem:$0x3FB9];
	_ =	sdelay $0x3  }
0x33: {  	p0 =	seq.s32 s10, $0x1;
	s10 =	sld [smem:$0x3FBB];
	_ =	sdelay $0x3  }
0x34: {  	[smem:$0x3FBB] =	sst s10  }
0x35: {  	s10 =	sld [smem:$0x3FBA];
	_ =	sdelay $0x3  }
0x36: {  	p1 =	seq.s32 s10, $0x1;
	s10 =	sld [smem:$0x3FBB];
	_ =	sdelay $0x3  }
0x37: {  	[smem:$0x3FBB] =	sst s10  }
0x38: {  	s10 =	sld [smem:$0x3FBC]  }
0x39: {  	_ = 	snop;
	(pc) =	sbr.ind lr, $3  }
0x3a: {  	_ = 	snop  }
0x3b: {  	_ = 	snop  }
0x3c: {  	p2 =	seq.s32 s10, $0x1;
	s10 =	sld [smem:$0x3FBB]  }
0x3d: {  	_ =	shalt  }
0x3e: {  	_ =	shalt  }
0x3f: {  	_ =	shalt  }
0x40: {  	_ =	shalt  }
0x41: {  	_ =	shalt  }
0x42: {  	_ =	shalt  }
0x43: {  	_ =	shalt  }
0x44: {  	_ =	shalt  }
0x45: {  	_ =	shalt  }
0x46: {  	_ =	shalt  }
0x47: {  	_ =	shalt  }
0x48: {  	_ =	shalt  }
0x49: {  	_ =	shalt  }
0x4a: {  	_ =	shalt  }
0x4b: {  	_ =	shalt  }
0x4c: {  	_ =	shalt  }
0x4d: {  	_ =	shalt  }
0x4e: {  	_ =	shalt  }
0x4f: {  	_ =	shalt  }
0x50: {  	_ =	shalt  }
0x51: {  	_ =	shalt  }
0x52: {  	_ =	shalt  }
0x53: {  	_ =	shalt  }
0x54: {  	_ =	shalt  }
0x55: {  	_ =	shalt  }
0x56: {  	_ =	shalt  }
0x57: {  	_ =	shalt  }
0x58: {  	_ =	shalt  }
0x59: {  	_ =	shalt  }
0x5a: {  	_ =	shalt  }
0x5b: {  	_ =	shalt  }
0x5c: {  	_ =	shalt  }
0x5d: {  	_ =	shalt  }
0x5e: {  	_ =	shalt  }
0x5f: {  	_ =	shalt  }
0x60: {  	_ =	shalt  }
0x61: {  	_ =	shalt  }
0x62: {  	_ =	shalt  }
0x63: {  	_ =	shalt  }
0x64: {  	_ =	shalt  }
0x65: {  	_ =	shalt  }
0x66: {  	_ =	shalt  }
0x67: {  	_ =	shalt  }
0x68: {  	_ =	shalt  }
0x69: {  	_ =	shalt  }
0x6a: {  	_ =	shalt  }
0x6b: {  	_ =	shalt  }
0x6c: {  	_ =	shalt  }
0x6d: {  	_ =	shalt  }
0x6e: {  	_ =	shalt  }
0x6f: {  	_ =	shalt  }
0x70: {  	_ =	shalt  }
0x71: {  	_ =	shalt  }
0x72: {  	_ =	shalt  }
0x73: {  	_ =	shalt  }
0x74: {  	_ =	shalt  }
0x75: {  	_ =	shalt  }
0x76: {  	_ =	shalt  }
0x77: {  	_ =	shalt  }
0x78: {  	_ =	shalt  }
0x79: {  	_ =	shalt  }
0x7a: {  	_ =	shalt  }
0x7b: {  	_ =	shalt  }
0x7c: {  	_ =	shalt  }
0x7d: {  	_ =	shalt  }
0x7e: {  	_ =	shalt  }
0x7f: {  	_ =	shalt  }
0x80: {  	_ =	shalt  }
0x81: {  	_ =	shalt  }
0x82: {  	_ =	shalt  }
0x83: {  	_ =	shalt  }
0x84: {  	_ =	shalt  }
0x85: {  	_ =	shalt  }
0x86: {  	_ =	shalt  }
0x87: {  	_ =	shalt  }
.Lfunc_end0:
.L_simem_size_0:
called_computation_lowered:
.L_overlay_start_0:
0x88: {  	s2 =	sld [smem:$0x3FD9]  }
0x89: {  	s3 =	sld [smem:$0x3FFE];
	_ =	sdelay $0x1  }
0x8a: {  	s1 =	srdreg.scid  }
0x8b: {  	s0 =	sand.u32 $0x1, s1  }
0x8c: {  	s17 =	sshll.u32 s0, $0xA;
	s2 =	sadd.s32 s3, s2  }
0x8d: {  	s2 =	sadd.s32 s2, s17  }
0x8e: {  	[smem:$0x3FC7] =	sst s2  }
0x8f: {  	_ = 	snop  }
0x90: {  	s2 =	sld [smem:$0x3FC9];
	(tm) =	ssettm $0x1  }
0x91: {  	s18 =	sld [smem:$0x3FFB];
	_ =	sdelay $0x3  }
0x92: {  	_ =	strace s18  }
0x93: {  	s3 =	sld [smem:$0x3FFC];
	_ =	sdelay $0x3  }
0x94: {  	_ =	strace s3  }
0x95: {  	s3 =	sld [smem:$0x3FFD];
	_ =	sdelay $0x3  }
0x96: {  	_ =	strace s3  }
0x97: {  	_ =	strace $0x8FFFFFFF  }
0x98: {  	s19 =	sld [smem:$0x3FDB];
	_ =	sdelay $0x1  }
0x99: {  	s4 =	simm.s32 $_scs_section_size  }
0x9a: {  	s5 =	simm.s32 $_size__tile_overlayer_lowered;
	s6 =	simm.s32 $_tile_overlayer_lowered  }
0x9b: {  	s22 =	simm.s32 $0x1BFF;
	s21 =	sshll.u32 s6, $0x1;
	s3 =	sadd.s32 s4, s19  }
0x9c: {  	s7 =	simm.s32 $0x0;
	s20 =	sshll.u32 s5, $0x1;
	s5 =	sadd.s32 s21, s3  }
0x9d: {  	[timem:s7], [sflag:s22] =	dma.local [hbm:s5], s20  }
0x9e: {  	_ =	swait.ge [sflag:s22], s20  }
0x9f: {  	s4 =	ssub.s32 $0x0, s20;
	[sflag:s22] =	ssyncset.done $0x0  }
0xa0: {  	[sflag:s22] =	ssyncadd.s32 s4;
	_ =	sdelay $0x1  }
0xa1: {  	s23 =	simm.s32 $0x1B8B  }
0xa2: {  	_ =	swait.ge [sflag:s23], $0x1  }
0xa3: {  	[sflag:s23] =	ssyncset.done $0x0  }
0xa4: {  	s25 =	simm.s32 $0x1B8E;
	s24 =	sld [smem:$0x3FFE];
	[sflag:s23] =	ssyncadd.s32 $0xFFFFFFFF  }
0xa5: {  	s26 =	simm.s32 $execute0_lowered;
	[smem:$0x3FD2] =	sst s25  }
0xa6: {  	s5 =	sshll.u32 s26, $0x1;
	_ =	strace $0x80000046;
	[dreg:$0x1] =	wrdreg $0xFFFFFFFF  }
0xa7: {  	s28 =	simm.s32 $_size_execute0_lowered;
	s3 =	sadd.s32 s3, s5;
	[dreg:$0x0] =	wrdreg $0x0  }
0xa8: {  	s5 =	sshll.u32 s28, $0x1;
	[dreg:$0x2] =	wrdreg s3  }
0xa9: {  	[dreg:$0x3] =	wrdreg s5  }
0xaa: {  	[dreg:$0x4] =	wrdreg $0xC0  }
0xab: {  	_ =	task [dreg:s7], $0x5FFFF  }
0xac: {  	[dreg:$0x1] =	wrdreg $0xFFFFFFFF  }
0xad: {  	[dreg:$0x0] =	wrdreg $0x60  }
0xae: {  	[dreg:$0x2] =	wrdreg s2  }
0xaf: {  	[dreg:$0x3] =	wrdreg s24  }
0xb0: {  	[dreg:$0x4] =	wrdreg $0x9  }
0xb1: {  	_ =	task.clear_ibuf [dreg:s7], $0x5FFFF;
	_ =	strace $0x90000046  }
0xb2: {  	s29 =	simm.s32 $0x9;
	_ =	strace $0x80000048  }
0xb3: {  	_ =	swait.ge [sflag:s29], $0x1  }
0xb4: {  	[sflag:s29] =	ssyncadd.s32 $0xFFFFFFFF  }
0xb5: {  	_ =	strace $0x90000048  }
0xb6: {  	_ =	sfence  }
0xb7: {  	s30 =	sld [smem:$0x0];
	_ =	sdelay $0x2  }
0xb8: {  	s31 =	sshll.u32 s1, $0xD;
	s1 =	sshrl.u32 s1, $0x2  }
0xb9: {  	s3 =	sand.u32 $0x4000, s31;
	s1 =	sadd.s32 s1, s30  }
0xba: {  	s0 =	sor.u32 s3, s0;
	s1 =	sshll.u32 s1, $0x11  }
0xbb: {  	s0 =	sor.u32 s1, s0  }
0xbc: {  	s0 =	sadd.s32 $0x8F2B, s0  }
0xbd: {  	[sflag:s0] =	ssyncadd.remote.s32 $0x1  }
0xbe: {  	_ =	sfence.sel $0xFFFF  }
0xbf: {  	[dreg:$0x0] =	wrdreg $0xFFFFFFFF;
	(pc) =	sbr.abs _section_cstart, $3  }
0xc0: {  	[dreg:$0x1] =	wrdreg $0xFFFFFFFF  }
0xc1: {  	_ =	task.clear_ibuf [dreg:s7], $0x2FFFF;
	_ =	strace $0x9FFFFFFF  }
0xc2: {  	(tm) =	ssettm $0x7FFFFFFF  }
0xc3: {  	_ =	shalt  }
tec
execute0_lowered:
.L_overlay_start_1:
0x0: {  	(tag) =	ssettag $0x1  }
0x1: {  	s3 =	rddreg [dreg:$0x0]  }
0x2: {  	s4 =	rddreg [dreg:$0x1];
	s2 =	srdreg.scid  }
0x3: {  	s0 =	rddreg [dreg:$0x2];
	s1 =	stileid.u32;
	s9 =	simm.s32 $0x0  }
0x4: {  	s5 =	sand.u32 $0x1, s2;
	s2 =	simm.s32 $0x0;
	s6 =	sshll.u32 s1, $0xA  }
0x5: {  	s7 =	sshll.u32 s5, $0x9;
	[smem:$0x7FF] =	sst s2;
	s5 =	ssub.s32 $0x2, s5  }
0x6: {  	s6 =	sor.u32 s7, s6;
	_ =	strace $0x80000047;
	s31 =	sshrl.u32 s5, $0x1  }
0x7: {  	s7 =	simm.s32 $0x2;
	s8 =	sshrl.u32 s6, $0x3;
	s4 =	sadd.s32 s6, s4  }
0x8: {  	s5 =	ssub.s32 s5, s31;
	s6 =	simm.s32 $0x1000;
	s3 =	sadd.s32 s3, s8  }
0x9: {  	v0 =	vimm.f32 $0.0e+00;
	v1 =	vlaneseq.u32;
	v2 =	vimm.f32 $1.000000000e+00;
	s4 =	sadd.s32 $0x600, s4;
	s5 =	smax.u32 s5, $0x1;
	s8 =	simm.s32 $0x1  }
.LBB2_1:
0xa: {  	[tilespmem:s6], [sflag:$0x2] =	stream.linear.gather [hbm4b:s3+s2], $0x200, $0x38;
	[tilespmem:$0x1200] =	vst v63  }
0xb: {  	_ =	swait.ge [sflag:s7], $0x200  }
0xc: {  	[sflag:s7] =	ssyncset.done $0x0  }
0xd: {  	[sflag:s7] =	ssyncadd.s32 $0xFFFFFE00  }
0xe: {  	[tilespmem:$0x0] =	vst v0  }
0xf: {  	[tilespmem:$0x80] =	vst v0  }
0x10: {  	[tilespmem:$0x100] =	vst v0  }
0x11: {  	[tilespmem:$0x180] =	vst v0  }
0x12: {  	[tilespmem:$0x200] =	vst v0  }
0x13: {  	[tilespmem:$0x280] =	vst v0  }
0x14: {  	[tilespmem:$0x300] =	vst v0  }
0x15: {  	[tilespmem:$0x380] =	vst v0  }
0x16: {  	[tilespmem:$0x10] =	vst v0  }
0x17: {  	[tilespmem:$0x90] =	vst v0  }
0x18: {  	[tilespmem:$0x110] =	vst v0  }
0x19: {  	[tilespmem:$0x190] =	vst v0  }
0x1a: {  	[tilespmem:$0x210] =	vst v0  }
0x1b: {  	[tilespmem:$0x290] =	vst v0  }
0x1c: {  	[tilespmem:$0x310] =	vst v0  }
0x1d: {  	[tilespmem:$0x390] =	vst v0  }
0x1e: {  	[tilespmem:$0x20] =	vst v0  }
0x1f: {  	[tilespmem:$0xA0] =	vst v0  }
0x20: {  	[tilespmem:$0x120] =	vst v0  }
0x21: {  	[tilespmem:$0x1A0] =	vst v0  }
0x22: {  	[tilespmem:$0x220] =	vst v0  }
0x23: {  	[tilespmem:$0x2A0] =	vst v0  }
0x24: {  	[tilespmem:$0x320] =	vst v0  }
0x25: {  	[tilespmem:$0x3A0] =	vst v0  }
0x26: {  	[tilespmem:$0x30] =	vst v0  }
0x27: {  	[tilespmem:$0xB0] =	vst v0  }
0x28: {  	[tilespmem:$0x130] =	vst v0  }
0x29: {  	[tilespmem:$0x1B0] =	vst v0  }
0x2a: {  	[tilespmem:$0x230] =	vst v0  }
0x2b: {  	[tilespmem:$0x2B0] =	vst v0  }
0x2c: {  	[tilespmem:$0x330] =	vst v0  }
0x2d: {  	[tilespmem:$0x3B0] =	vst v0  }
0x2e: {  	[tilespmem:$0x40] =	vst v0  }
0x2f: {  	[tilespmem:$0xC0] =	vst v0  }
0x30: {  	[tilespmem:$0x140] =	vst v0  }
0x31: {  	[tilespmem:$0x1C0] =	vst v0  }
0x32: {  	[tilespmem:$0x240] =	vst v0  }
0x33: {  	[tilespmem:$0x2C0] =	vst v0  }
0x34: {  	[tilespmem:$0x340] =	vst v0  }
0x35: {  	[tilespmem:$0x3C0] =	vst v0  }
0x36: {  	[tilespmem:$0x50] =	vst v0  }
0x37: {  	[tilespmem:$0xD0] =	vst v0  }
0x38: {  	[tilespmem:$0x150] =	vst v0  }
0x39: {  	[tilespmem:$0x1D0] =	vst v0  }
0x3a: {  	[tilespmem:$0x250] =	vst v0  }
0x3b: {  	[tilespmem:$0x2D0] =	vst v0  }
0x3c: {  	[tilespmem:$0x350] =	vst v0  }
0x3d: {  	[tilespmem:$0x3D0] =	vst v0  }
0x3e: {  	[tilespmem:$0x60] =	vst v0  }
0x3f: {  	[tilespmem:$0xE0] =	vst v0  }
0x40: {  	[tilespmem:$0x160] =	vst v0  }
0x41: {  	[tilespmem:$0x1E0] =	vst v0  }
0x42: {  	[tilespmem:$0x260] =	vst v0  }
0x43: {  	[tilespmem:$0x2E0] =	vst v0  }
0x44: {  	[tilespmem:$0x360] =	vst v0  }
0x45: {  	[tilespmem:$0x3E0] =	vst v0  }
0x46: {  	[tilespmem:$0x70] =	vst v0  }
0x47: {  	[tilespmem:$0xF0] =	vst v0  }
0x48: {  	[tilespmem:$0x170] =	vst v0  }
0x49: {  	[tilespmem:$0x1F0] =	vst v0  }
0x4a: {  	[tilespmem:$0x270] =	vst v0  }
0x4b: {  	[tilespmem:$0x2F0] =	vst v0  }
0x4c: {  	[tilespmem:$0x370] =	vst v0  }
0x4d: {  	[tilespmem:$0x3F0] =	vst v0  }
0x4e: {  	[tilespmem:$0x400] =	vst v0  }
0x4f: {  	[tilespmem:$0x480] =	vst v0  }
0x50: {  	[tilespmem:$0x500] =	vst v0  }
0x51: {  	[tilespmem:$0x580] =	vst v0  }
0x52: {  	[tilespmem:$0x600] =	vst v0  }
0x53: {  	[tilespmem:$0x680] =	vst v0  }
0x54: {  	[tilespmem:$0x700] =	vst v0  }
0x55: {  	[tilespmem:$0x780] =	vst v0  }
0x56: {  	[tilespmem:$0x410] =	vst v0  }
0x57: {  	[tilespmem:$0x490] =	vst v0  }
0x58: {  	[tilespmem:$0x510] =	vst v0  }
0x59: {  	[tilespmem:$0x590] =	vst v0  }
0x5a: {  	[tilespmem:$0x610] =	vst v0  }
0x5b: {  	[tilespmem:$0x690] =	vst v0  }
0x5c: {  	[tilespmem:$0x710] =	vst v0  }
0x5d: {  	[tilespmem:$0x790] =	vst v0  }
0x5e: {  	[tilespmem:$0x420] =	vst v0  }
0x5f: {  	[tilespmem:$0x4A0] =	vst v0  }
0x60: {  	[tilespmem:$0x520] =	vst v0  }
0x61: {  	[tilespmem:$0x5A0] =	vst v0  }
0x62: {  	[tilespmem:$0x620] =	vst v0  }
0x63: {  	[tilespmem:$0x6A0] =	vst v0  }
0x64: {  	[tilespmem:$0x720] =	vst v0  }
0x65: {  	[tilespmem:$0x7A0] =	vst v0  }
0x66: {  	[tilespmem:$0x430] =	vst v0  }
0x67: {  	[tilespmem:$0x4B0] =	vst v0  }
0x68: {  	[tilespmem:$0x530] =	vst v0  }
0x69: {  	[tilespmem:$0x5B0] =	vst v0  }
0x6a: {  	[tilespmem:$0x630] =	vst v0  }
0x6b: {  	[tilespmem:$0x6B0] =	vst v0  }
0x6c: {  	[tilespmem:$0x730] =	vst v0  }
0x6d: {  	[tilespmem:$0x7B0] =	vst v0  }
0x6e: {  	[tilespmem:$0x440] =	vst v0  }
0x6f: {  	[tilespmem:$0x4C0] =	vst v0  }
0x70: {  	[tilespmem:$0x540] =	vst v0  }
0x71: {  	[tilespmem:$0x5C0] =	vst v0  }
0x72: {  	[tilespmem:$0x640] =	vst v0  }
0x73: {  	[tilespmem:$0x6C0] =	vst v0  }
0x74: {  	[tilespmem:$0x740] =	vst v0  }
0x75: {  	[tilespmem:$0x7C0] =	vst v0  }
0x76: {  	[tilespmem:$0x450] =	vst v0  }
0x77: {  	[tilespmem:$0x4D0] =	vst v0  }
0x78: {  	[tilespmem:$0x550] =	vst v0  }
0x79: {  	[tilespmem:$0x5D0] =	vst v0  }
0x7a: {  	[tilespmem:$0x650] =	vst v0  }
0x7b: {  	[tilespmem:$0x6D0] =	vst v0  }
0x7c: {  	[tilespmem:$0x750] =	vst v0  }
0x7d: {  	[tilespmem:$0x7D0] =	vst v0  }
0x7e: {  	[tilespmem:$0x460] =	vst v0  }
0x7f: {  	[tilespmem:$0x4E0] =	vst v0  }
0x80: {  	[tilespmem:$0x560] =	vst v0  }
0x81: {  	[tilespmem:$0x5E0] =	vst v0  }
0x82: {  	[tilespmem:$0x660] =	vst v0  }
0x83: {  	[tilespmem:$0x6E0] =	vst v0  }
0x84: {  	[tilespmem:$0x760] =	vst v0  }
0x85: {  	[tilespmem:$0x7E0] =	vst v0  }
0x86: {  	[tilespmem:$0x470] =	vst v0  }
0x87: {  	[tilespmem:$0x4F0] =	vst v0  }
0x88: {  	[tilespmem:$0x570] =	vst v0  }
0x89: {  	[tilespmem:$0x5F0] =	vst v0  }
0x8a: {  	[tilespmem:$0x670] =	vst v0  }
0x8b: {  	[tilespmem:$0x6F0] =	vst v0  }
0x8c: {  	[tilespmem:$0x770] =	vst v0  }
0x8d: {  	[tilespmem:$0x7F0] =	vst v0  }
0x8e: {  	[tilespmem:$0x800] =	vst v0  }
0x8f: {  	[tilespmem:$0x880] =	vst v0  }
0x90: {  	[tilespmem:$0x900] =	vst v0  }
0x91: {  	[tilespmem:$0x980] =	vst v0  }
0x92: {  	[tilespmem:$0xA00] =	vst v0  }
0x93: {  	[tilespmem:$0xA80] =	vst v0  }
0x94: {  	[tilespmem:$0xB00] =	vst v0  }
0x95: {  	[tilespmem:$0xB80] =	vst v0  }
0x96: {  	[tilespmem:$0x810] =	vst v0  }
0x97: {  	[tilespmem:$0x890] =	vst v0  }
0x98: {  	[tilespmem:$0x910] =	vst v0  }
0x99: {  	[tilespmem:$0x990] =	vst v0  }
0x9a: {  	[tilespmem:$0xA10] =	vst v0  }
0x9b: {  	[tilespmem:$0xA90] =	vst v0  }
0x9c: {  	[tilespmem:$0xB10] =	vst v0  }
0x9d: {  	[tilespmem:$0xB90] =	vst v0  }
0x9e: {  	[tilespmem:$0x820] =	vst v0  }
0x9f: {  	[tilespmem:$0x8A0] =	vst v0  }
0xa0: {  	[tilespmem:$0x920] =	vst v0  }
0xa1: {  	[tilespmem:$0x9A0] =	vst v0  }
0xa2: {  	[tilespmem:$0xA20] =	vst v0  }
0xa3: {  	[tilespmem:$0xAA0] =	vst v0  }
0xa4: {  	[tilespmem:$0xB20] =	vst v0  }
0xa5: {  	[tilespmem:$0xBA0] =	vst v0  }
0xa6: {  	[tilespmem:$0x830] =	vst v0  }
0xa7: {  	[tilespmem:$0x8B0] =	vst v0  }
0xa8: {  	[tilespmem:$0x930] =	vst v0  }
0xa9: {  	[tilespmem:$0x9B0] =	vst v0  }
0xaa: {  	[tilespmem:$0xA30] =	vst v0  }
0xab: {  	[tilespmem:$0xAB0] =	vst v0  }
0xac: {  	[tilespmem:$0xB30] =	vst v0  }
0xad: {  	[tilespmem:$0xBB0] =	vst v0  }
0xae: {  	[tilespmem:$0x840] =	vst v0  }
0xaf: {  	[tilespmem:$0x8C0] =	vst v0  }
0xb0: {  	[tilespmem:$0x940] =	vst v0  }
0xb1: {  	[tilespmem:$0x9C0] =	vst v0  }
0xb2: {  	[tilespmem:$0xA40] =	vst v0  }
0xb3: {  	[tilespmem:$0xAC0] =	vst v0  }
0xb4: {  	[tilespmem:$0xB40] =	vst v0  }
0xb5: {  	[tilespmem:$0xBC0] =	vst v0  }
0xb6: {  	[tilespmem:$0x850] =	vst v0  }
0xb7: {  	[tilespmem:$0x8D0] =	vst v0  }
0xb8: {  	[tilespmem:$0x950] =	vst v0  }
0xb9: {  	[tilespmem:$0x9D0] =	vst v0  }
0xba: {  	[tilespmem:$0xA50] =	vst v0  }
0xbb: {  	[tilespmem:$0xAD0] =	vst v0  }
0xbc: {  	[tilespmem:$0xB50] =	vst v0  }
0xbd: {  	[tilespmem:$0xBD0] =	vst v0  }
0xbe: {  	[tilespmem:$0x860] =	vst v0  }
0xbf: {  	[tilespmem:$0x8E0] =	vst v0  }
0xc0: {  	[tilespmem:$0x960] =	vst v0  }
0xc1: {  	[tilespmem:$0x9E0] =	vst v0  }
0xc2: {  	[tilespmem:$0xA60] =	vst v0  }
0xc3: {  	[tilespmem:$0xAE0] =	vst v0  }
0xc4: {  	[tilespmem:$0xB60] =	vst v0  }
0xc5: {  	[tilespmem:$0xBE0] =	vst v0  }
0xc6: {  	[tilespmem:$0x870] =	vst v0  }
0xc7: {  	[tilespmem:$0x8F0] =	vst v0  }
0xc8: {  	[tilespmem:$0x970] =	vst v0  }
0xc9: {  	[tilespmem:$0x9F0] =	vst v0  }
0xca: {  	[tilespmem:$0xA70] =	vst v0  }
0xcb: {  	[tilespmem:$0xAF0] =	vst v0  }
0xcc: {  	[tilespmem:$0xB70] =	vst v0  }
0xcd: {  	[tilespmem:$0xBF0] =	vst v0  }
0xce: {  	[tilespmem:$0xC00] =	vst v0  }
0xcf: {  	[tilespmem:$0xC80] =	vst v0  }
0xd0: {  	[tilespmem:$0xD00] =	vst v0  }
0xd1: {  	[tilespmem:$0xD80] =	vst v0  }
0xd2: {  	[tilespmem:$0xE00] =	vst v0  }
0xd3: {  	[tilespmem:$0xE80] =	vst v0  }
0xd4: {  	[tilespmem:$0xF00] =	vst v0  }
0xd5: {  	[tilespmem:$0xF80] =	vst v0  }
0xd6: {  	[tilespmem:$0xC10] =	vst v0  }
0xd7: {  	[tilespmem:$0xC90] =	vst v0  }
0xd8: {  	[tilespmem:$0xD10] =	vst v0  }
0xd9: {  	[tilespmem:$0xD90] =	vst v0  }
0xda: {  	[tilespmem:$0xE10] =	vst v0  }
0xdb: {  	[tilespmem:$0xE90] =	vst v0  }
0xdc: {  	[tilespmem:$0xF10] =	vst v0  }
0xdd: {  	[tilespmem:$0xF90] =	vst v0  }
0xde: {  	[tilespmem:$0xC20] =	vst v0  }
0xdf: {  	[tilespmem:$0xCA0] =	vst v0  }
0xe0: {  	[tilespmem:$0xD20] =	vst v0  }
0xe1: {  	[tilespmem:$0xDA0] =	vst v0  }
0xe2: {  	[tilespmem:$0xE20] =	vst v0  }
0xe3: {  	[tilespmem:$0xEA0] =	vst v0  }
0xe4: {  	[tilespmem:$0xF20] =	vst v0  }
0xe5: {  	[tilespmem:$0xFA0] =	vst v0  }
0xe6: {  	[tilespmem:$0xC30] =	vst v0  }
0xe7: {  	[tilespmem:$0xCB0] =	vst v0  }
0xe8: {  	[tilespmem:$0xD30] =	vst v0  }
0xe9: {  	[tilespmem:$0xDB0] =	vst v0  }
0xea: {  	[tilespmem:$0xE30] =	vst v0  }
0xeb: {  	[tilespmem:$0xEB0] =	vst v0  }
0xec: {  	[tilespmem:$0xF30] =	vst v0  }
0xed: {  	[tilespmem:$0xFB0] =	vst v0  }
0xee: {  	[tilespmem:$0xC40] =	vst v0  }
0xef: {  	[tilespmem:$0xCC0] =	vst v0  }
0xf0: {  	[tilespmem:$0xD40] =	vst v0  }
0xf1: {  	[tilespmem:$0xDC0] =	vst v0  }
0xf2: {  	[tilespmem:$0xE40] =	vst v0  }
0xf3: {  	[tilespmem:$0xEC0] =	vst v0  }
0xf4: {  	[tilespmem:$0xF40] =	vst v0  }
0xf5: {  	[tilespmem:$0xFC0] =	vst v0  }
0xf6: {  	[tilespmem:$0xC50] =	vst v0  }
0xf7: {  	[tilespmem:$0xCD0] =	vst v0  }
0xf8: {  	[tilespmem:$0xD50] =	vst v0  }
0xf9: {  	[tilespmem:$0xDD0] =	vst v0  }
0xfa: {  	[tilespmem:$0xE50] =	vst v0  }
0xfb: {  	[tilespmem:$0xED0] =	vst v0  }
0xfc: {  	[tilespmem:$0xF50] =	vst v0  }
0xfd: {  	[tilespmem:$0xFD0] =	vst v0  }
0xfe: {  	[tilespmem:$0xC60] =	vst v0  }
0xff: {  	[tilespmem:$0xCE0] =	vst v0  }
0x100: {  	[tilespmem:$0xD60] =	vst v0  }
0x101: {  	[tilespmem:$0xDE0] =	vst v0  }
0x102: {  	[tilespmem:$0xE60] =	vst v0  }
0x103: {  	[tilespmem:$0xEE0] =	vst v0  }
0x104: {  	[tilespmem:$0xF60] =	vst v0  }
0x105: {  	[tilespmem:$0xFE0] =	vst v0  }
0x106: {  	[tilespmem:$0xC70] =	vst v0  }
0x107: {  	[tilespmem:$0xCF0] =	vst v0  }
0x108: {  	[tilespmem:$0xD70] =	vst v0  }
0x109: {  	[tilespmem:$0xDF0] =	vst v0  }
0x10a: {  	[tilespmem:$0xE70] =	vst v0  }
0x10b: {  	[tilespmem:$0xEF0] =	vst v0  }
0x10c: {  	[tilespmem:$0xF70] =	vst v0  }
0x10d: {  	s10 =	simm.s32 $0xFFFFFFFC;
	s11 =	simm.s32 $0x1020;
	s12 =	simm.s32 $0x0;
	[tilespmem:$0xFF0] =	vst v0  }
.LBB2_2:
0x10e: {  	v3 =	vld [tilespmem:s11+$0xFFFFFFE0];
	_ =	sdelay $0x2  }
0x10f: {  	v4 =	vmov s12  }
0x110: {  	v5 =	vor.u32 s12, v1;
	v4 =	vshll.u32 v4, $0x3  }
0x111: {  	v5 =	vand.u32 $0x4F, v5;
	v4 =	vand.u32 $0xC00, v4;
	v6 =	vshll.u32 v3, $0x9  }
0x112: {  	v4 =	vor.u32 v4, v5;
	v51 =	vshll.u32 v3, $0x7;
	v6 =	vand.u32 $0xFFFFF000, v6  }
0x113: {  	vm0 =	vlt.s32 v3, $0x8;
	v3 =	vand.u32 $0x380, v51;
	v4 =	vor.u32 v6, v4  }
0x114: {  	v3 =	vor.u32 v3, v4;
	_ =	sdelay $0x4  }
0x115: {  	[tilespmem:v3+s2+$0x0] =	vst.idx.msk vm0, v2  }
0x116: {  	v3 =	vld [tilespmem:s11+$0xFFFFFFF0];
	_ =	sdelay $0x1  }
0x117: {  	s13 =	sadd.s32 $0x10, s12  }
0x118: {  	v52 =	vmov s13  }
0x119: {  	v53 =	vor.u32 s13, v1;
	v4 =	vshll.u32 v52, $0x3  }
0x11a: {  	v5 =	vand.u32 $0x5F, v53;
	v4 =	vand.u32 $0xC00, v4;
	v54 =	vshll.u32 v3, $0x9  }
0x11b: {  	v4 =	vor.u32 v4, v5;
	v55 =	vshll.u32 v3, $0x7;
	v6 =	vand.u32 $0xFFFFF000, v54  }
0x11c: {  	vm13 =	vlt.s32 v3, $0x8;
	v3 =	vand.u32 $0x380, v55;
	v4 =	vor.u32 v6, v4  }
0x11d: {  	v3 =	vor.u32 v3, v4;
	_ =	sdelay $0x4  }
0x11e: {  	[tilespmem:v3+s2+$0x0] =	vst.idx.msk vm13, v2  }
0x11f: {  	v3 =	vld [tilespmem:s11+$0x0];
	_ =	sdelay $0x1  }
0x120: {  	s30 =	sadd.s32 $0x20, s12  }
0x121: {  	v56 =	vmov s30  }
0x122: {  	v57 =	vor.u32 s30, v1;
	v4 =	vshll.u32 v56, $0x3  }
0x123: {  	v5 =	vand.u32 $0x6F, v57;
	v4 =	vand.u32 $0xC00, v4;
	v58 =	vshll.u32 v3, $0x9  }
0x124: {  	v4 =	vor.u32 v4, v5;
	v59 =	vshll.u32 v3, $0x7;
	v6 =	vand.u32 $0xFFFFF000, v58  }
0x125: {  	vm14 =	vlt.s32 v3, $0x8;
	v3 =	vand.u32 $0x380, v59;
	v4 =	vor.u32 v6, v4  }
0x126: {  	v3 =	vor.u32 v3, v4;
	_ =	sdelay $0x4  }
0x127: {  	[tilespmem:v3+s2+$0x0] =	vst.idx.msk vm14, v2  }
0x128: {  	v3 =	vld [tilespmem:s11+$0x10];
	_ =	sdelay $0x1  }
0x129: {  	s31 =	sadd.s32 $0x30, s12  }
0x12a: {  	v60 =	vmov s31  }
0x12b: {  	v61 =	vor.u32 s31, v1;
	v4 =	vshll.u32 v60, $0x3  }
0x12c: {  	v5 =	vand.u32 $0x7F, v61;
	v4 =	vand.u32 $0xC00, v4;
	v62 =	vshll.u32 v3, $0x9  }
0x12d: {  	v4 =	vor.u32 v4, v5;
	v63 =	vshll.u32 v3, $0x7;
	v6 =	vand.u32 $0xFFFFF000, v62  }
0x12e: {  	s10 =	sadd.s32 $0x4, s10;
	vm15 =	vlt.s32 v3, $0x8;
	v3 =	vand.u32 $0x380, v63;
	v4 =	vor.u32 v6, v4  }
0x12f: {  	p0 =	slt.u32 s10, $0x1C;
	v3 =	vor.u32 v3, v4  }
.Ltmp0:
0x130: {  	_ = 	snop;
	(pc) =	sbr.rel @p0 .LBB2_2-.Ltmp0, $2  }
0x131: {  	_ =	sdelay $0x2  }
0x132: {  	s12 =	sadd.s32 $0x40, s12;
	s11 =	sadd.s32 $0x40, s11;
	[tilespmem:v3+s2+$0x0] =	vst.idx.msk vm15, v2  }
0x133: {  	s9 =	sadd.s32 $0x1, s9  }
0x134: {  	p0 =	sne.s32 s9, s5  }
.Ltmp1:
0x135: {  	_ = 	snop;
	(pc) =	sbr.rel @p0 .LBB2_1-.Ltmp1, $4  }
0x136: {  	[hbm4b:s4+s2] =	stream.linear.scatter [tilespmem:s2], [sflag:$0x1], $0x1000, $0x38;
	[tilespmem:$0x1200] =	vst v63  }
0x137: {  	_ =	swait.ge [sflag:s8], $0x1000  }
0x138: {  	[sflag:s8] =	ssyncset.done $0x0  }
0x139: {  	[sflag:s8] =	ssyncadd.s32 $0xFFFFF000  }
0x13a: {  	_ =	sfence.sel $0x180000  }
0x13b: {  	[bflag:$0x0] =	sbarrier.arrive $0xFFFF  }
0x13c: {  	p0 =	sne.s32 s1, $0x0;
	_ =	strace $0x90000047  }
0x13d: {  	s0 =	sadd.s32 @!p0 $0x100000, s0;
	[bflag:$0x2] =	sbarrier.arrive $0xFFFF  }
0x13e: {  	[sflag:s0] =	ssyncadd.tile.s32 @!p0 $0x1;
	_ =	shalt  }
.Lfunc_end2:
_tile_overlayer_lowered:
.L_overlay_start_2:
0x13f: {  	(tag) =	ssettag $0x2  }
0x140: {  	s0 =	rddreg [dreg:$0x0];
	s2 =	stileid.u32  }
0x141: {  	s1 =	rddreg [dreg:$0x1];
	p0 =	sne.s32 s2, $0x0  }
0x142: {  	s3 =	rddreg [dreg:$0x2];
	[bflag:$0x3] =	sbarrier.arrive $0xFFFF;
	s2 =	simm.s32 @!p0 $0x1C02  }
0x143: {  	[timem:s3], [sflag:s2] =	dma.local @!p0 [hbm:s0], s1  }
0x144: {  	s0 =	simm.s32 @!p0 $0x2  }
0x145: {  	_ =	swait.ge @!p0 [sflag:s0], s1  }
0x146: {  	s1 =	ssub.s32 @!p0 $0x0, s1;
	[sflag:s0] =	ssyncset.done @!p0 $0x0  }
0x147: {  	[sflag:s0] =	ssyncadd.s32 @!p0 s1  }
0x148: {  	[bflag:$0x3] =	sbarrier.arrive $0xFFFF  }
0x149: {  	_ =	shalt  }

</sc_bundles>
